<compile_context>
chip_gen: v7x
topology: tpu7x:2x2x1
jax: 0.10.2.dev20260603
libtpu: 0.0.44.dev20260713+nightly
codegen_flags: <defaults>
</compile_context>

<pallas_src>
import jax
import jax.numpy as jnp
from jax import lax
from jax.experimental import pallas as pl
from jax.experimental.pallas import tpu as pltpu
from jax.experimental.pallas import tpu_sc as plsc

_B = 16384
_D = 32
_NF = 26
_NW = 32
_BPW = _B // _NW
_R = 2048


def _sc_gather_body(ul, il, uwt, iwt, uidx, iidx,
                    u_out, i_out, uw_out, iw_out,
                    uidx_v, iidx_v, urows_v, irows_v, uw_v, iw_v, sem):
    wid = lax.axis_index("s") * 2 + lax.axis_index("c")
    base = wid * _BPW
    pltpu.sync_copy(uidx.at[pl.ds(base, _BPW)], uidx_v)
    pltpu.sync_copy(iidx.at[pl.ds(base, _BPW)], iidx_v)
    c0 = pltpu.async_copy(ul.at[uidx_v], urows_v, sem)
    c1 = pltpu.async_copy(il.at[iidx_v], irows_v, sem)
    c2 = pltpu.async_copy(uwt.at[uidx_v], uw_v, sem)
    c3 = pltpu.async_copy(iwt.at[iidx_v], iw_v, sem)
    c0.wait()
    c1.wait()
    c2.wait()
    c3.wait()
    pltpu.sync_copy(urows_v, u_out.at[pl.ds(base, _BPW)])
    pltpu.sync_copy(irows_v, i_out.at[pl.ds(base, _BPW)])
    pltpu.sync_copy(uw_v, uw_out.at[pl.ds(base, _BPW)])
    pltpu.sync_copy(iw_v, iw_out.at[pl.ds(base, _BPW)])


_sc_gather = pl.kernel(
    _sc_gather_body,
    mesh=plsc.VectorSubcoreMesh(core_axis_name="c", subcore_axis_name="s"),
    out_type=[
        jax.ShapeDtypeStruct((_B, _D), jnp.float32),
        jax.ShapeDtypeStruct((_B, _D), jnp.float32),
        jax.ShapeDtypeStruct((_B,), jnp.float32),
        jax.ShapeDtypeStruct((_B,), jnp.float32),
    ],
    scratch_types=[
        pltpu.VMEM((_BPW,), jnp.int32),
        pltpu.VMEM((_BPW,), jnp.int32),
        pltpu.VMEM((_BPW, _D), jnp.float32),
        pltpu.VMEM((_BPW, _D), jnp.float32),
        pltpu.VMEM((_BPW,), jnp.float32),
        pltpu.VMEM((_BPW,), jnp.float32),
        pltpu.SemaphoreType.DMA,
    ],
    compiler_params=pltpu.CompilerParams(use_tc_tiling_on_sc=False),
)


def _tc_combine_body(feats_ref, u_ref, i_ref, uw_ref, iw_ref,
                     fl_ref, fw_ref, fb_ref, out_ref):
    f = feats_ref[...]
    u = u_ref[...]
    iv = i_ref[...]
    w = fw_ref[...]
    p = lax.dot_general(u, fl_ref[...], (((1,), (1,)), ((), ())),
                        preferred_element_type=jnp.float32)
    lin = jnp.sum(f * w, axis=1, keepdims=True)
    inter1 = jnp.sum(u * iv, axis=1, keepdims=True)
    inter2 = jnp.sum(p * f, axis=1, keepdims=True)
    out_ref[...] = (lin + fb_ref[0, 0] + uw_ref[...] + iw_ref[...]
                    + inter1 + inter2)


def _tc_combine(feats, u_e, i_e, uw, iw, fl, fw, fb):
    nblk = _B // _R
    return pl.pallas_call(
        _tc_combine_body,
        grid=(nblk,),
        in_specs=[
            pl.BlockSpec((_R, _NF), lambda i: (i, 0)),
            pl.BlockSpec((_R, _D), lambda i: (i, 0)),
            pl.BlockSpec((_R, _D), lambda i: (i, 0)),
            pl.BlockSpec((_R, 1), lambda i: (i, 0)),
            pl.BlockSpec((_R, 1), lambda i: (i, 0)),
            pl.BlockSpec((_NF, _D), lambda i: (0, 0)),
            pl.BlockSpec((1, _NF), lambda i: (0, 0)),
            pl.BlockSpec((1, 1), lambda i: (0, 0)),
        ],
        out_specs=pl.BlockSpec((_R, 1), lambda i: (i, 0)),
        out_shape=jax.ShapeDtypeStruct((_B, 1), jnp.float32),
    )(feats, u_e, i_e, uw, iw, fl, fw, fb)


def kernel(x, user_latent, item_latent, feat_latent, fw_W, fw_b,
           user_weight, item_weight):
    users = x[:, 0].astype(jnp.int32)
    items = x[:, 1].astype(jnp.int32)
    feats = x[:, 2:]
    uwt = jnp.reshape(user_weight, (-1,))
    iwt = jnp.reshape(item_weight, (-1,))
    u_e, i_e, uw, iw = _sc_gather(user_latent, item_latent, uwt, iwt,
                                  users, items)
    return _tc_combine(feats, u_e, i_e,
                       jnp.reshape(uw, (_B, 1)), jnp.reshape(iw, (_B, 1)),
                       feat_latent, fw_W, jnp.reshape(fw_b, (1, 1)))

# --- scband reference (transcript-rebuilt; emitter-appended) ---
"""Pipeline reference for scband-factorization-machine-72395968741592 (READ-ONLY COPY).

The authoritative reference and input builder live on the scoring server;
editing this copy changes nothing except your own understanding.
"""

import jax, jax.numpy as jnp
import numpy as np

N_USER = 1000000
N_ITEM = 1000000
N_FEAT = 26
LATENT_DIM = 32
BATCH = 16384


def setup_inputs(seed: int = 0) -> dict:
    key = jax.random.key(seed)
    ks = jax.random.split(key, 8)
    # x: [B, 2 + n_feature]; cols 0,1 are user/item indices, rest are features.
    x = jax.random.randint(ks[0], (BATCH, 2 + N_FEAT), 0, N_USER).astype(jnp.float32)
    user_latent = jax.random.normal(ks[1], (N_USER, LATENT_DIM), dtype=jnp.float32) * 0.01
    item_latent = jax.random.normal(ks[2], (N_ITEM, LATENT_DIM), dtype=jnp.float32) * 0.01
    feat_latent = jax.random.normal(ks[3], (N_FEAT, LATENT_DIM), dtype=jnp.float32) * 0.01
    fw_W = jax.random.normal(ks[4], (1, N_FEAT), dtype=jnp.float32) * 0.01
    fw_b = jnp.zeros((1,), dtype=jnp.float32)
    user_weight = jax.random.normal(ks[5], (N_USER, 1), dtype=jnp.float32) * 0.01
    item_weight = jax.random.normal(ks[6], (N_ITEM, 1), dtype=jnp.float32) * 0.01
    return {
        "x": x,
        "user_latent": user_latent,
        "item_latent": item_latent,
        "feat_latent": feat_latent,
        "fw_W": fw_W,
        "fw_b": fw_b,
        "user_weight": user_weight,
        "item_weight": item_weight,
    }


def reference(x, user_latent, item_latent, feat_latent, fw_W, fw_b, user_weight, item_weight):
    # Faithful translation of FactorizationMachine.forward with weight=True, n_feature>0.
    feats = x[:, 2:]
    # out += self.feat_weight(x[:, 2:])  (nn.Linear(n_feature, 1))
    out = feats @ fw_W.T + fw_b
    users = x[:, 0].astype(jnp.int32)
    items = x[:, 1].astype(jnp.int32)
    # out += user_weight(users) + item_weight(items)
    out = out + jnp.take(user_weight, users, axis=0) + jnp.take(item_weight, items, axis=0)
    u_embed = jnp.take(user_latent, users, axis=0)
    i_embed = jnp.take(item_latent, items, axis=0)
    # out += (u_embed * i_embed).sum(dim=1).unsqueeze(-1)
    out = out + jnp.sum(u_embed * i_embed, axis=1, keepdims=True)
    # out += (u_embed @ feat_latent.T * xfeature).sum(dim=1).unsqueeze(-1)
    out = out + jnp.sum((u_embed @ feat_latent.T) * feats, axis=1, keepdims=True)
    return out

if __name__ == "__main__":
    import jax
    _d = setup_inputs()
    print(jax.jit(kernel)(*tuple(_d.values())))

</pallas_src>

<mosaic_0001>
#map = affine_map<(d0, d1) -> (0, 0)>
#map1 = affine_map<(d0, d1) -> (0)>
module attributes {stable_mosaic.version = 14 : i64} {
  func.func @_sc_gather_body(%arg0: i32, %arg1: i32, %arg2: memref<1000000x32xf32, #tpu.memory_space<hbm>>, %arg3: memref<1000000x32xf32, #tpu.memory_space<hbm>>, %arg4: memref<1000000xf32, #tpu.memory_space<hbm>>, %arg5: memref<1000000xf32, #tpu.memory_space<hbm>>, %arg6: memref<16384xi32, #tpu.memory_space<hbm>>, %arg7: memref<16384xi32, #tpu.memory_space<hbm>>, %arg8: memref<16384x32xf32, #tpu.memory_space<hbm>>, %arg9: memref<16384x32xf32, #tpu.memory_space<hbm>>, %arg10: memref<16384xf32, #tpu.memory_space<hbm>>, %arg11: memref<16384xf32, #tpu.memory_space<hbm>>, %arg12: memref<512xi32, #tpu.memory_space<vmem>>, %arg13: memref<512xi32, #tpu.memory_space<vmem>>, %arg14: memref<512x32xf32, #tpu.memory_space<vmem>>, %arg15: memref<512x32xf32, #tpu.memory_space<vmem>>, %arg16: memref<512xf32, #tpu.memory_space<vmem>>, %arg17: memref<512xf32, #tpu.memory_space<vmem>>, %arg18: memref<!tpu.dma_semaphore, #tpu.memory_space<semaphore_mem>>) attributes {dimension_semantics = [#tpu.dimension_semantics<core_parallel>, #tpu.dimension_semantics<subcore_parallel>], iteration_bounds = array<i64: 2, 16>, scalar_prefetch = 0 : i64, scratch_operands = 7 : i64, tpu.core_type = #tpu.core_type<sc_vector_subcore>, window_params = [{transform_indices = #map}, {transform_indices = #map}, {transform_indices = #map1}, {transform_indices = #map1}, {transform_indices = #map1}, {transform_indices = #map1}, {transform_indices = #map}, {transform_indices = #map}, {transform_indices = #map1}, {transform_indices = #map1}]} {
    %mul3A = arith.constant 2 : i32
    %mul3A_0 = arith.muli %arg1, %mul3A : i32
    %add3A = arith.addi %mul3A_0, %arg0 : i32
    %mul3A_1 = arith.constant 512 : i32
    %mul3A_2 = arith.muli %add3A, %mul3A_1 : i32
    "tpu.region"() ({
      %run_scoped3A = tpu.sem_alloc : memref<!tpu.dma_semaphore, #tpu.memory_space<semaphore_mem>>
      %dma_start3A_21 = tpu.memref_slice %arg6[%mul3A_2] : memref<16384xi32, #tpu.memory_space<hbm>> -> memref<512xi32, #tpu.memory_space<hbm>>
      %dma_start3A_22 = tpu.memref_slice %arg6[%mul3A_2] : memref<16384xi32, #tpu.memory_space<hbm>> -> memref<512xi32, #tpu.memory_space<hbm>>
      tpu.enqueue_dma source(%dma_start3A_22 : memref<512xi32, #tpu.memory_space<hbm>>) target(%arg12 : memref<512xi32, #tpu.memory_space<vmem>>) target_semaphore(%run_scoped3A : memref<!tpu.dma_semaphore, #tpu.memory_space<semaphore_mem>>)
      %dma_wait3A_23 = tpu.memref_slice %arg6[%mul3A_2] : memref<16384xi32, #tpu.memory_space<hbm>> -> memref<512xi32, #tpu.memory_space<hbm>>
      %dma_wait3A_24 = tpu.memref_slice %arg6[%mul3A_2] : memref<16384xi32, #tpu.memory_space<hbm>> -> memref<512xi32, #tpu.memory_space<hbm>>
      tpu.wait_dma2 semaphore(%run_scoped3A : memref<!tpu.dma_semaphore, #tpu.memory_space<semaphore_mem>>) src(%dma_wait3A_24 : memref<512xi32, #tpu.memory_space<hbm>>) dst(%arg12 : memref<512xi32, #tpu.memory_space<vmem>>)
      tpu.yield
    }) : () -> ()
    "tpu.region"() ({
      %run_scoped3A = tpu.sem_alloc : memref<!tpu.dma_semaphore, #tpu.memory_space<semaphore_mem>>
      %dma_start3A_21 = tpu.memref_slice %arg7[%mul3A_2] : memref<16384xi32, #tpu.memory_space<hbm>> -> memref<512xi32, #tpu.memory_space<hbm>>
      %dma_start3A_22 = tpu.memref_slice %arg7[%mul3A_2] : memref<16384xi32, #tpu.memory_space<hbm>> -> memref<512xi32, #tpu.memory_space<hbm>>
      tpu.enqueue_dma source(%dma_start3A_22 : memref<512xi32, #tpu.memory_space<hbm>>) target(%arg13 : memref<512xi32, #tpu.memory_space<vmem>>) target_semaphore(%run_scoped3A : memref<!tpu.dma_semaphore, #tpu.memory_space<semaphore_mem>>)
      %dma_wait3A_23 = tpu.memref_slice %arg7[%mul3A_2] : memref<16384xi32, #tpu.memory_space<hbm>> -> memref<512xi32, #tpu.memory_space<hbm>>
      %dma_wait3A_24 = tpu.memref_slice %arg7[%mul3A_2] : memref<16384xi32, #tpu.memory_space<hbm>> -> memref<512xi32, #tpu.memory_space<hbm>>
      tpu.wait_dma2 semaphore(%run_scoped3A : memref<!tpu.dma_semaphore, #tpu.memory_space<semaphore_mem>>) src(%dma_wait3A_24 : memref<512xi32, #tpu.memory_space<hbm>>) dst(%arg13 : memref<512xi32, #tpu.memory_space<vmem>>)
      tpu.yield
    }) : () -> ()
    %dma_start3A = arith.constant 0 : i32
    %dma_start3A_3 = arith.constant 0 : i32
    %dma_start3A_4 = tpu.memref_slice %arg2[%dma_start3A, %dma_start3A_3] : memref<1000000x32xf32, #tpu.memory_space<hbm>> -> memref<1000000x32xf32, #tpu.memory_space<hbm>>
    tpu.enqueue_indirect_dma source(%dma_start3A_4 : memref<1000000x32xf32, #tpu.memory_space<hbm>>) target(%arg14 : memref<512x32xf32, #tpu.memory_space<vmem>>) offsets(%arg12 : memref<512xi32, #tpu.memory_space<vmem>>) semaphore(%arg18 : memref<!tpu.dma_semaphore, #tpu.memory_space<semaphore_mem>>)
    %dma_start3A_5 = arith.constant 0 : i32
    %dma_start3A_6 = arith.constant 0 : i32
    %dma_start3A_7 = tpu.memref_slice %arg3[%dma_start3A_5, %dma_start3A_6] : memref<1000000x32xf32, #tpu.memory_space<hbm>> -> memref<1000000x32xf32, #tpu.memory_space<hbm>>
    tpu.enqueue_indirect_dma source(%dma_start3A_7 : memref<1000000x32xf32, #tpu.memory_space<hbm>>) target(%arg15 : memref<512x32xf32, #tpu.memory_space<vmem>>) offsets(%arg13 : memref<512xi32, #tpu.memory_space<vmem>>) semaphore(%arg18 : memref<!tpu.dma_semaphore, #tpu.memory_space<semaphore_mem>>)
    %dma_start3A_8 = arith.constant 0 : i32
    %dma_start3A_9 = tpu.memref_slice %arg4[%dma_start3A_8] : memref<1000000xf32, #tpu.memory_space<hbm>> -> memref<1000000xf32, #tpu.memory_space<hbm>>
    tpu.enqueue_indirect_dma source(%dma_start3A_9 : memref<1000000xf32, #tpu.memory_space<hbm>>) target(%arg16 : memref<512xf32, #tpu.memory_space<vmem>>) offsets(%arg12 : memref<512xi32, #tpu.memory_space<vmem>>) semaphore(%arg18 : memref<!tpu.dma_semaphore, #tpu.memory_space<semaphore_mem>>)
    %dma_start3A_10 = arith.constant 0 : i32
    %dma_start3A_11 = tpu.memref_slice %arg5[%dma_start3A_10] : memref<1000000xf32, #tpu.memory_space<hbm>> -> memref<1000000xf32, #tpu.memory_space<hbm>>
    tpu.enqueue_indirect_dma source(%dma_start3A_11 : memref<1000000xf32, #tpu.memory_space<hbm>>) target(%arg17 : memref<512xf32, #tpu.memory_space<vmem>>) offsets(%arg13 : memref<512xi32, #tpu.memory_space<vmem>>) semaphore(%arg18 : memref<!tpu.dma_semaphore, #tpu.memory_space<semaphore_mem>>)
    %dma_wait3A = arith.constant 0 : i32
    %dma_wait3A_12 = arith.constant 0 : i32
    %dma_wait3A_13 = tpu.memref_slice %arg2[%dma_wait3A, %dma_wait3A_12] : memref<1000000x32xf32, #tpu.memory_space<hbm>> -> memref<1000000x32xf32, #tpu.memory_space<hbm>>
    tpu.wait_indirect_dma semaphore(%arg18 : memref<!tpu.dma_semaphore, #tpu.memory_space<semaphore_mem>>) src(%dma_wait3A_13 : memref<1000000x32xf32, #tpu.memory_space<hbm>>) dst(%arg14 : memref<512x32xf32, #tpu.memory_space<vmem>>)
    %dma_wait3A_14 = arith.constant 0 : i32
    %dma_wait3A_15 = arith.constant 0 : i32
    %dma_wait3A_16 = tpu.memref_slice %arg3[%dma_wait3A_14, %dma_wait3A_15] : memref<1000000x32xf32, #tpu.memory_space<hbm>> -> memref<1000000x32xf32, #tpu.memory_space<hbm>>
    tpu.wait_indirect_dma semaphore(%arg18 : memref<!tpu.dma_semaphore, #tpu.memory_space<semaphore_mem>>) src(%dma_wait3A_16 : memref<1000000x32xf32, #tpu.memory_space<hbm>>) dst(%arg15 : memref<512x32xf32, #tpu.memory_space<vmem>>)
    %dma_wait3A_17 = arith.constant 0 : i32
    %dma_wait3A_18 = tpu.memref_slice %arg4[%dma_wait3A_17] : memref<1000000xf32, #tpu.memory_space<hbm>> -> memref<1000000xf32, #tpu.memory_space<hbm>>
    tpu.wait_indirect_dma semaphore(%arg18 : memref<!tpu.dma_semaphore, #tpu.memory_space<semaphore_mem>>) src(%dma_wait3A_18 : memref<1000000xf32, #tpu.memory_space<hbm>>) dst(%arg16 : memref<512xf32, #tpu.memory_space<vmem>>)
    %dma_wait3A_19 = arith.constant 0 : i32
    %dma_wait3A_20 = tpu.memref_slice %arg5[%dma_wait3A_19] : memref<1000000xf32, #tpu.memory_space<hbm>> -> memref<1000000xf32, #tpu.memory_space<hbm>>
    tpu.wait_indirect_dma semaphore(%arg18 : memref<!tpu.dma_semaphore, #tpu.memory_space<semaphore_mem>>) src(%dma_wait3A_20 : memref<1000000xf32, #tpu.memory_space<hbm>>) dst(%arg17 : memref<512xf32, #tpu.memory_space<vmem>>)
    "tpu.region"() ({
      %run_scoped3A = tpu.sem_alloc : memref<!tpu.dma_semaphore, #tpu.memory_space<semaphore_mem>>
      %dma_start3A_21 = arith.constant 0 : i32
      %dma_start3A_22 = tpu.memref_slice %arg8[%mul3A_2, %dma_start3A_21] : memref<16384x32xf32, #tpu.memory_space<hbm>> -> memref<512x32xf32, #tpu.memory_space<hbm>>
      %dma_start3A_23 = arith.constant 0 : i32
      %dma_start3A_24 = tpu.memref_slice %arg8[%mul3A_2, %dma_start3A_23] : memref<16384x32xf32, #tpu.memory_space<hbm>> -> memref<512x32xf32, #tpu.memory_space<hbm>>
      tpu.enqueue_dma source(%arg14 : memref<512x32xf32, #tpu.memory_space<vmem>>) target(%dma_start3A_24 : memref<512x32xf32, #tpu.memory_space<hbm>>) target_semaphore(%run_scoped3A : memref<!tpu.dma_semaphore, #tpu.memory_space<semaphore_mem>>)
      %dma_wait3A_25 = arith.constant 0 : i32
      %dma_wait3A_26 = tpu.memref_slice %arg8[%mul3A_2, %dma_wait3A_25] : memref<16384x32xf32, #tpu.memory_space<hbm>> -> memref<512x32xf32, #tpu.memory_space<hbm>>
      %dma_wait3A_27 = arith.constant 0 : i32
      %dma_wait3A_28 = tpu.memref_slice %arg8[%mul3A_2, %dma_wait3A_27] : memref<16384x32xf32, #tpu.memory_space<hbm>> -> memref<512x32xf32, #tpu.memory_space<hbm>>
      tpu.wait_dma2 semaphore(%run_scoped3A : memref<!tpu.dma_semaphore, #tpu.memory_space<semaphore_mem>>) src(%arg14 : memref<512x32xf32, #tpu.memory_space<vmem>>) dst(%dma_wait3A_28 : memref<512x32xf32, #tpu.memory_space<hbm>>)
      tpu.yield
    }) : () -> ()
    "tpu.region"() ({
      %run_scoped3A = tpu.sem_alloc : memref<!tpu.dma_semaphore, #tpu.memory_space<semaphore_mem>>
      %dma_start3A_21 = arith.constant 0 : i32
      %dma_start3A_22 = tpu.memref_slice %arg9[%mul3A_2, %dma_start3A_21] : memref<16384x32xf32, #tpu.memory_space<hbm>> -> memref<512x32xf32, #tpu.memory_space<hbm>>
      %dma_start3A_23 = arith.constant 0 : i32
      %dma_start3A_24 = tpu.memref_slice %arg9[%mul3A_2, %dma_start3A_23] : memref<16384x32xf32, #tpu.memory_space<hbm>> -> memref<512x32xf32, #tpu.memory_space<hbm>>
      tpu.enqueue_dma source(%arg15 : memref<512x32xf32, #tpu.memory_space<vmem>>) target(%dma_start3A_24 : memref<512x32xf32, #tpu.memory_space<hbm>>) target_semaphore(%run_scoped3A : memref<!tpu.dma_semaphore, #tpu.memory_space<semaphore_mem>>)
      %dma_wait3A_25 = arith.constant 0 : i32
      %dma_wait3A_26 = tpu.memref_slice %arg9[%mul3A_2, %dma_wait3A_25] : memref<16384x32xf32, #tpu.memory_space<hbm>> -> memref<512x32xf32, #tpu.memory_space<hbm>>
      %dma_wait3A_27 = arith.constant 0 : i32
      %dma_wait3A_28 = tpu.memref_slice %arg9[%mul3A_2, %dma_wait3A_27] : memref<16384x32xf32, #tpu.memory_space<hbm>> -> memref<512x32xf32, #tpu.memory_space<hbm>>
      tpu.wait_dma2 semaphore(%run_scoped3A : memref<!tpu.dma_semaphore, #tpu.memory_space<semaphore_mem>>) src(%arg15 : memref<512x32xf32, #tpu.memory_space<vmem>>) dst(%dma_wait3A_28 : memref<512x32xf32, #tpu.memory_space<hbm>>)
      tpu.yield
    }) : () -> ()
    "tpu.region"() ({
      %run_scoped3A = tpu.sem_alloc : memref<!tpu.dma_semaphore, #tpu.memory_space<semaphore_mem>>
      %dma_start3A_21 = tpu.memref_slice %arg10[%mul3A_2] : memref<16384xf32, #tpu.memory_space<hbm>> -> memref<512xf32, #tpu.memory_space<hbm>>
      %dma_start3A_22 = tpu.memref_slice %arg10[%mul3A_2] : memref<16384xf32, #tpu.memory_space<hbm>> -> memref<512xf32, #tpu.memory_space<hbm>>
      tpu.enqueue_dma source(%arg16 : memref<512xf32, #tpu.memory_space<vmem>>) target(%dma_start3A_22 : memref<512xf32, #tpu.memory_space<hbm>>) target_semaphore(%run_scoped3A : memref<!tpu.dma_semaphore, #tpu.memory_space<semaphore_mem>>)
      %dma_wait3A_23 = tpu.memref_slice %arg10[%mul3A_2] : memref<16384xf32, #tpu.memory_space<hbm>> -> memref<512xf32, #tpu.memory_space<hbm>>
      %dma_wait3A_24 = tpu.memref_slice %arg10[%mul3A_2] : memref<16384xf32, #tpu.memory_space<hbm>> -> memref<512xf32, #tpu.memory_space<hbm>>
      tpu.wait_dma2 semaphore(%run_scoped3A : memref<!tpu.dma_semaphore, #tpu.memory_space<semaphore_mem>>) src(%arg16 : memref<512xf32, #tpu.memory_space<vmem>>) dst(%dma_wait3A_24 : memref<512xf32, #tpu.memory_space<hbm>>)
      tpu.yield
    }) : () -> ()
    "tpu.region"() ({
      %run_scoped3A = tpu.sem_alloc : memref<!tpu.dma_semaphore, #tpu.memory_space<semaphore_mem>>
      %dma_start3A_21 = tpu.memref_slice %arg11[%mul3A_2] : memref<16384xf32, #tpu.memory_space<hbm>> -> memref<512xf32, #tpu.memory_space<hbm>>
      %dma_start3A_22 = tpu.memref_slice %arg11[%mul3A_2] : memref<16384xf32, #tpu.memory_space<hbm>> -> memref<512xf32, #tpu.memory_space<hbm>>
      tpu.enqueue_dma source(%arg17 : memref<512xf32, #tpu.memory_space<vmem>>) target(%dma_start3A_22 : memref<512xf32, #tpu.memory_space<hbm>>) target_semaphore(%run_scoped3A : memref<!tpu.dma_semaphore, #tpu.memory_space<semaphore_mem>>)
      %dma_wait3A_23 = tpu.memref_slice %arg11[%mul3A_2] : memref<16384xf32, #tpu.memory_space<hbm>> -> memref<512xf32, #tpu.memory_space<hbm>>
      %dma_wait3A_24 = tpu.memref_slice %arg11[%mul3A_2] : memref<16384xf32, #tpu.memory_space<hbm>> -> memref<512xf32, #tpu.memory_space<hbm>>
      tpu.wait_dma2 semaphore(%run_scoped3A : memref<!tpu.dma_semaphore, #tpu.memory_space<semaphore_mem>>) src(%arg17 : memref<512xf32, #tpu.memory_space<vmem>>) dst(%dma_wait3A_24 : memref<512xf32, #tpu.memory_space<hbm>>)
      tpu.yield
    }) : () -> ()
    return
  }
}

module attributes {stable_mosaic.version = 14 : i64} {
  func.func @_tc_combine_body(%arg0: i32, %arg1: memref<2048x26xf32, #tpu.memory_space<vmem>>, %arg2: memref<2048x32xf32, #tpu.memory_space<vmem>>, %arg3: memref<2048x32xf32, #tpu.memory_space<vmem>>, %arg4: memref<2048x1xf32, #tpu.memory_space<vmem>>, %arg5: memref<2048x1xf32, #tpu.memory_space<vmem>>, %arg6: memref<26x32xf32, #tpu.memory_space<vmem>>, %arg7: memref<1x26xf32, #tpu.memory_space<vmem>>, %arg8: memref<1x1xf32, #tpu.memory_space<vmem>>, %arg9: memref<2048x1xf32, #tpu.memory_space<vmem>>) attributes {dimension_semantics = [#tpu.dimension_semantics<arbitrary>], iteration_bounds = array<i64: 8>, scalar_prefetch = 0 : i64, scratch_operands = 0 : i64, tpu.core_type = #tpu.core_type<tc>, window_params = [{transform_indices = @transform_0, window_bounds = array<i64: 2048, 26>}, {transform_indices = @transform_1, window_bounds = array<i64: 2048, 32>}, {transform_indices = @transform_2, window_bounds = array<i64: 2048, 32>}, {transform_indices = @transform_3, window_bounds = array<i64: 2048, 1>}, {transform_indices = @transform_4, window_bounds = array<i64: 2048, 1>}, {pipeline_mode = #tpu.pipeline_mode<synchronous>, transform_indices = @transform_5, window_bounds = array<i64: 26, 32>}, {pipeline_mode = #tpu.pipeline_mode<synchronous>, transform_indices = @transform_6, window_bounds = array<i64: 1, 26>}, {pipeline_mode = #tpu.pipeline_mode<synchronous>, transform_indices = @transform_7, window_bounds = array<i64: 1, 1>}, {transform_indices = @transform_8, window_bounds = array<i64: 2048, 1>}]} {
    %get3A = arith.constant 0 : index
    %get3A_0 = arith.constant 0 : index
    %get3A_1 = vector.load %arg1[%get3A, %get3A_0] : memref<2048x26xf32, #tpu.memory_space<vmem>>, vector<2048x26xf32>
    %get3A_2 = arith.constant 0 : index
    %get3A_3 = arith.constant 0 : index
    %get3A_4 = vector.load %arg2[%get3A_2, %get3A_3] : memref<2048x32xf32, #tpu.memory_space<vmem>>, vector<2048x32xf32>
    %get3A_5 = arith.constant 0 : index
    %get3A_6 = arith.constant 0 : index
    %get3A_7 = vector.load %arg3[%get3A_5, %get3A_6] : memref<2048x32xf32, #tpu.memory_space<vmem>>, vector<2048x32xf32>
    %get3A_8 = arith.constant 0 : index
    %get3A_9 = arith.constant 0 : index
    %get3A_10 = vector.load %arg7[%get3A_8, %get3A_9] : memref<1x26xf32, #tpu.memory_space<vmem>>, vector<1x26xf32>
    %get3A_11 = arith.constant 0 : index
    %get3A_12 = arith.constant 0 : index
    %get3A_13 = vector.load %arg6[%get3A_11, %get3A_12] : memref<26x32xf32, #tpu.memory_space<vmem>>, vector<26x32xf32>
    %dot_general3A = arith.constant dense<0.000000e+00> : vector<2048x26xf32>
    %dot_general3A_14 = tpu.matmul %get3A_4, %get3A_13, %dot_general3A {dimension_numbers = #tpu.dot_dimension_numbers<[1], [1], [0], [0], [0, 0, 1, 0], [], []>, transpose_lhs_hint = false} : vector<2048x32xf32>, vector<26x32xf32>, vector<2048x26xf32> -> vector<2048x26xf32>
    %mul3A = vector.broadcast %get3A_10 : vector<1x26xf32> to vector<2048x26xf32>
    %mul3A_15 = arith.mulf %get3A_1, %mul3A : vector<2048x26xf32>
    %reduce_sum3A = arith.constant dense<0.000000e+00> : vector<2048xf32>
    %reduce_sum3A_16 = vector.multi_reduction <add>, %mul3A_15, %reduce_sum3A [1] : vector<2048x26xf32> to vector<2048xf32>
    %broadcast_in_dim3A = vector.shape_cast %reduce_sum3A_16 : vector<2048xf32> to vector<2048x1xf32>
    %mul3A_17 = arith.mulf %get3A_4, %get3A_7 : vector<2048x32xf32>
    %reduce_sum3A_18 = arith.constant dense<0.000000e+00> : vector<2048xf32>
    %reduce_sum3A_19 = vector.multi_reduction <add>, %mul3A_17, %reduce_sum3A_18 [1] : vector<2048x32xf32> to vector<2048xf32>
    %broadcast_in_dim3A_20 = vector.shape_cast %reduce_sum3A_19 : vector<2048xf32> to vector<2048x1xf32>
    %mul3A_21 = arith.mulf %dot_general3A_14, %get3A_1 : vector<2048x26xf32>
    %reduce_sum3A_22 = arith.constant dense<0.000000e+00> : vector<2048xf32>
    %reduce_sum3A_23 = vector.multi_reduction <add>, %mul3A_21, %reduce_sum3A_22 [1] : vector<2048x26xf32> to vector<2048xf32>
    %broadcast_in_dim3A_24 = vector.shape_cast %reduce_sum3A_23 : vector<2048xf32> to vector<2048x1xf32>
    %get3A_25 = arith.constant 0 : index
    %get3A_26 = arith.constant 0 : index
    %get3A_27 = vector.load %arg8[%get3A_25, %get3A_26] : memref<1x1xf32, #tpu.memory_space<vmem>>, vector<1x1xf32>
    %get3A_28 = vector.extract %get3A_27[0, 0] : f32 from vector<1x1xf32>
    %add3A = vector.broadcast %get3A_28 : f32 to vector<2048x1xf32>
    %add3A_29 = arith.addf %broadcast_in_dim3A, %add3A : vector<2048x1xf32>
    %get3A_30 = arith.constant 0 : index
    %get3A_31 = arith.constant 0 : index
    %get3A_32 = vector.load %arg4[%get3A_30, %get3A_31] : memref<2048x1xf32, #tpu.memory_space<vmem>>, vector<2048x1xf32>
    %add3A_33 = arith.addf %add3A_29, %get3A_32 : vector<2048x1xf32>
    %get3A_34 = arith.constant 0 : index
    %get3A_35 = arith.constant 0 : index
    %get3A_36 = vector.load %arg5[%get3A_34, %get3A_35] : memref<2048x1xf32, #tpu.memory_space<vmem>>, vector<2048x1xf32>
    %add3A_37 = arith.addf %add3A_33, %get3A_36 : vector<2048x1xf32>
    %add3A_38 = arith.addf %add3A_37, %broadcast_in_dim3A_20 : vector<2048x1xf32>
    %add3A_39 = arith.addf %add3A_38, %broadcast_in_dim3A_24 : vector<2048x1xf32>
    %swap3A = arith.constant 0 : index
    %swap3A_40 = arith.constant 0 : index
    %swap3A_41 = vector.load %arg9[%swap3A, %swap3A_40] : memref<2048x1xf32, #tpu.memory_space<vmem>>, vector<2048x1xf32>
    tpu.vector_store %arg9[%swap3A, %swap3A_40], %add3A_39 {strides = array<i32>} : memref<2048x1xf32, #tpu.memory_space<vmem>>, vector<2048x1xf32>,
    return
  }
  func.func @transform_0(%arg0: i32) -> (i32, i32) {
    %c0_i32 = arith.constant 0 : i32
    %c0_i32_0 = arith.constant 0 : i32
    return %arg0, %c0_i32 : i32, i32
  }
  func.func @transform_1(%arg0: i32) -> (i32, i32) {
    %c0_i32 = arith.constant 0 : i32
    %c0_i32_0 = arith.constant 0 : i32
    return %arg0, %c0_i32 : i32, i32
  }
  func.func @transform_2(%arg0: i32) -> (i32, i32) {
    %c0_i32 = arith.constant 0 : i32
    %c0_i32_0 = arith.constant 0 : i32
    return %arg0, %c0_i32 : i32, i32
  }
  func.func @transform_3(%arg0: i32) -> (i32, i32) {
    %c0_i32 = arith.constant 0 : i32
    %c0_i32_0 = arith.constant 0 : i32
    return %arg0, %c0_i32 : i32, i32
  }
  func.func @transform_4(%arg0: i32) -> (i32, i32) {
    %c0_i32 = arith.constant 0 : i32
    %c0_i32_0 = arith.constant 0 : i32
    return %arg0, %c0_i32 : i32, i32
  }
  func.func @transform_5(%arg0: i32) -> (i32, i32) {
    %c0_i32 = arith.constant 0 : i32
    %c0_i32_0 = arith.constant 0 : i32
    %c0_i32_1 = arith.constant 0 : i32
    return %c0_i32, %c0_i32_0 : i32, i32
  }
  func.func @transform_6(%arg0: i32) -> (i32, i32) {
    %c0_i32 = arith.constant 0 : i32
    %c0_i32_0 = arith.constant 0 : i32
    %c0_i32_1 = arith.constant 0 : i32
    return %c0_i32, %c0_i32_0 : i32, i32
  }
  func.func @transform_7(%arg0: i32) -> (i32, i32) {
    %c0_i32 = arith.constant 0 : i32
    %c0_i32_0 = arith.constant 0 : i32
    %c0_i32_1 = arith.constant 0 : i32
    return %c0_i32, %c0_i32_0 : i32, i32
  }
  func.func @transform_8(%arg0: i32) -> (i32, i32) {
    %c0_i32 = arith.constant 0 : i32
    %c0_i32_0 = arith.constant 0 : i32
    return %arg0, %c0_i32 : i32, i32
  }
}

</mosaic_0001>

<sc_bundles>
// kernel: kernel.4.cloned.1.call-start
scs
__scs_entry_jumppad:
0x0: {  	(pc) =	sbr.rel $0x88, $3  }
0x1: {  	(tag) =	ssettag $0x0;
	lr =	simm.s32 $0x1  }
0x2: {  	[smem:$0x3F99] =	sst lr;
	_ =	strace $0xD0000000  }
0x3: {  	_ = 	snop  }
0x4: {  	_ = 	snop  }
0x5: {  	_ = 	snop  }
0x6: {  	_ = 	snop  }
0x7: {  	_ = 	snop  }
__scs_overlays_trampoline_lowered:
0x8: {  	[smem:$0x3FA8] =	sst s0  }
0x9: {  	[smem:$0x3FA9] =	sst s1  }
0xa: {  	[smem:$0x3FAA] =	sst s2  }
0xb: {  	[smem:$0x3FAB] =	sst s3  }
0xc: {  	[smem:$0x3FAC] =	sst s4  }
0xd: {  	[smem:$0x3FAD] =	sst s5  }
0xe: {  	[smem:$0x3FAE] =	sst s6  }
0xf: {  	[smem:$0x3FAF] =	sst s7  }
0x10: {  	[smem:$0x3FB0] =	sst s8  }
0x11: {  	[smem:$0x3FB1] =	sst s9;
	s0 =	simm.s32 @!p0 $0x0  }
0x12: {  	s1 =	sld [smem:$0x3F97];
	s0 =	simm.s32 @p0 $0x1  }
0x13: {  	[smem:$0x3FB2] =	sst s0;
	s0 =	simm.s32 @!p1 $0x0  }
0x14: {  	s2 =	sld [smem:$0x3F96];
	s0 =	simm.s32 @p1 $0x1  }
0x15: {  	[smem:$0x3FB3] =	sst s0;
	s0 =	simm.s32 @!p2 $0x0  }
0x16: {  	s3 =	sld [smem:$0x3FDB];
	s0 =	simm.s32 @p2 $0x1  }
0x17: {  	s4 =	simm.s32 $0x1BF5;
	[smem:$0x3FB5] =	sst s0  }
0x18: {  	s0 =	sld [smem:$0x3F98];
	_ =	swait.ge [sflag:s4], $0x0  }
0x19: {  	s7 =	sld [smem:$0x3F99]  }
0x1a: {  	s8 =	sadd.s32 $0xFFFFE003, lr  }
0x1b: {  	s9 =	sadd.s32 $0xFFFFFEF7, lr;
	s5 =	simm.s32 $0xFFFFFFFF;
	p2 =	slt.u32 s8, $0xFFFFF086  }
0x1c: {  	p1 =	slt.u32 s9, $0xF7A;
	s5 =	simm.s32 @!p2 $0x0  }
0x1d: {  	s5 =	simm.s32 @p1 $0x1;
	p0 =	seq.s32 s7, s2  }
0x1e: {  	s7 =	smul.u32 @!p0 $0xF7A, s2;
	p2 =	seq.s32 @!p0 s5, $0x0  }
0x1f: {  	s9 =	smul.u32 $0xF7A, s1;
	s8 =	simm.s32 @!p0 $0x1BF5;
	p2 =	por !p2, p0  }
0x20: {  	[sflag:s8] =	ssyncset.s32 @!p0 $0xFFFFF086;
	s6 =	sadd.s32 @!p0 s3, s7;
	s7 =	simm.s32 @!p0 $0x108  }
0x21: {  	s3 =	sadd.s32 s3, s9;
	s6 =	sadd.s32 @!p0 $0x88, s6;
	s7 =	simm.s32 @p2 $0x1082  }
0x22: {  	[simem:s7], [sflag:s8] =	dma.local @!p0 [hbm:s6], $0xF7A  }
0x23: {  	s9 =	sor.u32 $0xD0000000, s2;
	s6 =	simm.s32 $0x108;
	_ =	swait.ge @!p0 [sflag:s8], $0x0  }
0x24: {  	s3 =	sadd.s32 $0x88, s3;
	s6 =	simm.s32 @!p1 $0x1082;
	[sflag:s4] =	ssyncset.s32 $0xFFFFF086  }
0x25: {  	[simem:s6], [sflag:s4] =	dma.local [hbm:s3], $0xF7A  }
0x26: {  	[smem:$0x3F99] =	sst s1;
	(tag) =	ssettag s2;
	_ =	strace s9  }
0x27: {  	s1 =	sld [smem:$0x3FA9]  }
0x28: {  	s2 =	sld [smem:$0x3FAA]  }
0x29: {  	s4 =	sld [smem:$0x3FAC]  }
0x2a: {  	p0 =	seq.s32 s5, $0x0;
	s5 =	sld [smem:$0x3FAD]  }
0x2b: {  	s6 =	sld [smem:$0x3FAE]  }
0x2c: {  	s7 =	sld [smem:$0x3FAF]  }
0x2d: {  	s3 =	simm.s32 $0x108;
	s8 =	sld [smem:$0x3FB0]  }
0x2e: {  	s3 =	simm.s32 @!p0 $0x1082;
	s9 =	sld [smem:$0x3FB1]  }
0x2f: {  	lr =	sadd.s32 s0, s3;
	s0 =	sld [smem:$0x3FA8]  }
0x30: {  	s3 =	sld [smem:$0x3FAB]  }
0x31: {  	[smem:$0x3FB4] =	sst s10  }
0x32: {  	s10 =	sld [smem:$0x3FB2];
	_ =	sdelay $0x3  }
0x33: {  	p0 =	seq.s32 s10, $0x1;
	s10 =	sld [smem:$0x3FB4];
	_ =	sdelay $0x3  }
0x34: {  	[smem:$0x3FB4] =	sst s10  }
0x35: {  	s10 =	sld [smem:$0x3FB3];
	_ =	sdelay $0x3  }
0x36: {  	p1 =	seq.s32 s10, $0x1;
	s10 =	sld [smem:$0x3FB4];
	_ =	sdelay $0x3  }
0x37: {  	[smem:$0x3FB4] =	sst s10  }
0x38: {  	s10 =	sld [smem:$0x3FB5]  }
0x39: {  	_ = 	snop;
	(pc) =	sbr.ind lr, $3  }
0x3a: {  	_ = 	snop  }
0x3b: {  	_ = 	snop  }
0x3c: {  	p2 =	seq.s32 s10, $0x1;
	s10 =	sld [smem:$0x3FB4]  }
0x3d: {  	_ =	shalt  }
0x3e: {  	_ =	shalt  }
0x3f: {  	_ =	shalt  }
0x40: {  	_ =	shalt  }
0x41: {  	_ =	shalt  }
0x42: {  	_ =	shalt  }
0x43: {  	_ =	shalt  }
0x44: {  	_ =	shalt  }
0x45: {  	_ =	shalt  }
0x46: {  	_ =	shalt  }
0x47: {  	_ =	shalt  }
0x48: {  	_ =	shalt  }
0x49: {  	_ =	shalt  }
0x4a: {  	_ =	shalt  }
0x4b: {  	_ =	shalt  }
0x4c: {  	_ =	shalt  }
0x4d: {  	_ =	shalt  }
0x4e: {  	_ =	shalt  }
0x4f: {  	_ =	shalt  }
0x50: {  	_ =	shalt  }
0x51: {  	_ =	shalt  }
0x52: {  	_ =	shalt  }
0x53: {  	_ =	shalt  }
0x54: {  	_ =	shalt  }
0x55: {  	_ =	shalt  }
0x56: {  	_ =	shalt  }
0x57: {  	_ =	shalt  }
0x58: {  	_ =	shalt  }
0x59: {  	_ =	shalt  }
0x5a: {  	_ =	shalt  }
0x5b: {  	_ =	shalt  }
0x5c: {  	_ =	shalt  }
0x5d: {  	_ =	shalt  }
0x5e: {  	_ =	shalt  }
0x5f: {  	_ =	shalt  }
0x60: {  	_ =	shalt  }
0x61: {  	_ =	shalt  }
0x62: {  	_ =	shalt  }
0x63: {  	_ =	shalt  }
0x64: {  	_ =	shalt  }
0x65: {  	_ =	shalt  }
0x66: {  	_ =	shalt  }
0x67: {  	_ =	shalt  }
0x68: {  	_ =	shalt  }
0x69: {  	_ =	shalt  }
0x6a: {  	_ =	shalt  }
0x6b: {  	_ =	shalt  }
0x6c: {  	_ =	shalt  }
0x6d: {  	_ =	shalt  }
0x6e: {  	_ =	shalt  }
0x6f: {  	_ =	shalt  }
0x70: {  	_ =	shalt  }
0x71: {  	_ =	shalt  }
0x72: {  	_ =	shalt  }
0x73: {  	_ =	shalt  }
0x74: {  	_ =	shalt  }
0x75: {  	_ =	shalt  }
0x76: {  	_ =	shalt  }
0x77: {  	_ =	shalt  }
0x78: {  	_ =	shalt  }
0x79: {  	_ =	shalt  }
0x7a: {  	_ =	shalt  }
0x7b: {  	_ =	shalt  }
0x7c: {  	_ =	shalt  }
0x7d: {  	_ =	shalt  }
0x7e: {  	_ =	shalt  }
0x7f: {  	_ =	shalt  }
0x80: {  	_ =	shalt  }
0x81: {  	_ =	shalt  }
0x82: {  	_ =	shalt  }
0x83: {  	_ =	shalt  }
0x84: {  	_ =	shalt  }
0x85: {  	_ =	shalt  }
0x86: {  	_ =	shalt  }
0x87: {  	_ =	shalt  }
.Lfunc_end0:
.L_simem_size_0:
called_computation_lowered:
.L_overlay_start_0:
0x88: {  	s2 =	sld [smem:$0x3FD9]  }
0x89: {  	s3 =	sld [smem:$0x3FFE];
	_ =	sdelay $0x1  }
0x8a: {  	s1 =	srdreg.scid  }
0x8b: {  	s0 =	sand.u32 $0x1, s1  }
0x8c: {  	s17 =	sshll.u32 s0, $0xA;
	s2 =	sadd.s32 s3, s2  }
0x8d: {  	s2 =	sadd.s32 s2, s17  }
0x8e: {  	[smem:$0x3FC0] =	sst s2  }
0x8f: {  	_ = 	snop  }
0x90: {  	s2 =	sld [smem:$0x3FD0];
	(tm) =	ssettm $0x1  }
0x91: {  	s18 =	sld [smem:$0x3FFB];
	_ =	sdelay $0x3  }
0x92: {  	_ =	strace s18  }
0x93: {  	s3 =	sld [smem:$0x3FFC];
	_ =	sdelay $0x3  }
0x94: {  	_ =	strace s3  }
0x95: {  	s3 =	sld [smem:$0x3FFD];
	_ =	sdelay $0x3  }
0x96: {  	_ =	strace s3  }
0x97: {  	_ =	strace $0x8FFFFFFF  }
0x98: {  	s19 =	sld [smem:$0x3FDB];
	_ =	sdelay $0x1  }
0x99: {  	s4 =	simm.s32 $_scs_section_size  }
0x9a: {  	s5 =	simm.s32 $_size__tile_overlayer_lowered;
	s6 =	simm.s32 $_tile_overlayer_lowered  }
0x9b: {  	s22 =	simm.s32 $0x1BFF;
	s21 =	sshll.u32 s6, $0x1;
	s3 =	sadd.s32 s4, s19  }
0x9c: {  	s7 =	simm.s32 $0x0;
	s20 =	sshll.u32 s5, $0x1;
	s5 =	sadd.s32 s21, s3  }
0x9d: {  	[timem:s7], [sflag:s22] =	dma.local [hbm:s5], s20  }
0x9e: {  	_ =	swait.ge [sflag:s22], s20  }
0x9f: {  	s4 =	ssub.s32 $0x0, s20;
	[sflag:s22] =	ssyncset.done $0x0  }
0xa0: {  	[sflag:s22] =	ssyncadd.s32 s4;
	_ =	sdelay $0x1  }
0xa1: {  	s23 =	simm.s32 $0x1B8B  }
0xa2: {  	_ =	swait.ge [sflag:s23], $0x1  }
0xa3: {  	[sflag:s23] =	ssyncset.done $0x0  }
0xa4: {  	s25 =	simm.s32 $0x1B8E;
	s24 =	sld [smem:$0x3FFE];
	[sflag:s23] =	ssyncadd.s32 $0xFFFFFFFF  }
0xa5: {  	s26 =	simm.s32 $execute0_lowered;
	[smem:$0x3FD2] =	sst s25  }
0xa6: {  	s5 =	sshll.u32 s26, $0x1;
	_ =	strace $0x80000046;
	[dreg:$0x1] =	wrdreg $0xFFFFFFFF  }
0xa7: {  	s28 =	simm.s32 $_size_execute0_lowered;
	s3 =	sadd.s32 s3, s5;
	[dreg:$0x0] =	wrdreg $0x0  }
0xa8: {  	s5 =	sshll.u32 s28, $0x1;
	[dreg:$0x2] =	wrdreg s3  }
0xa9: {  	[dreg:$0x3] =	wrdreg s5  }
0xaa: {  	[dreg:$0x4] =	wrdreg $0xC0  }
0xab: {  	_ =	task [dreg:s7], $0x5FFFF  }
0xac: {  	[dreg:$0x1] =	wrdreg $0xFFFFFFFF  }
0xad: {  	[dreg:$0x0] =	wrdreg $0x60  }
0xae: {  	[dreg:$0x2] =	wrdreg s24  }
0xaf: {  	[dreg:$0x3] =	wrdreg s2  }
0xb0: {  	[dreg:$0x4] =	wrdreg $0x9  }
0xb1: {  	_ =	task.clear_ibuf [dreg:s7], $0x5FFFF;
	_ =	strace $0x90000046  }
0xb2: {  	s29 =	simm.s32 $0x9;
	_ =	strace $0x80000048  }
0xb3: {  	_ =	swait.ge [sflag:s29], $0x1  }
0xb4: {  	[sflag:s29] =	ssyncadd.s32 $0xFFFFFFFF  }
0xb5: {  	_ =	strace $0x90000048  }
0xb6: {  	_ =	sfence  }
0xb7: {  	s30 =	sld [smem:$0x0];
	_ =	sdelay $0x2  }
0xb8: {  	s31 =	sshll.u32 s1, $0xD;
	s1 =	sshrl.u32 s1, $0x2  }
0xb9: {  	s3 =	sand.u32 $0x4000, s31;
	s1 =	sadd.s32 s1, s30  }
0xba: {  	s0 =	sor.u32 s3, s0;
	s1 =	sshll.u32 s1, $0x11  }
0xbb: {  	s0 =	sor.u32 s1, s0  }
0xbc: {  	s0 =	sadd.s32 $0x8F2B, s0  }
0xbd: {  	[sflag:s0] =	ssyncadd.remote.s32 $0x1  }
0xbe: {  	_ =	sfence.sel $0xFFFF  }
0xbf: {  	[dreg:$0x0] =	wrdreg $0xFFFFFFFF;
	(pc) =	sbr.abs _section_cstart, $3  }
0xc0: {  	[dreg:$0x1] =	wrdreg $0xFFFFFFFF  }
0xc1: {  	_ =	task.clear_ibuf [dreg:s7], $0x2FFFF;
	_ =	strace $0x9FFFFFFF  }
0xc2: {  	(tm) =	ssettm $0x7FFFFFFF  }
0xc3: {  	_ =	shalt  }
tec
execute0_lowered:
.L_overlay_start_1:
0x0: {  	(tag) =	ssettag $0x1  }
0x1: {  	s1 =	srdreg.scid  }
0x2: {  	s0 =	stileid.u32;
	s18 =	sand.u32 $0x1, s1  }
0x3: {  	s31 =	sshll.u32 s0, $0xA;
	s2 =	sshll.u32 s18, $0x9  }
0x4: {  	s16 =	rddreg [dreg:$0x0];
	s17 =	sor.u32 s2, s31  }
0x5: {  	s5 =	rddreg [dreg:$0x1];
	s2 =	simm.s32 $0x0;
	s6 =	sshrl.u32 s17, $0x3  }
0x6: {  	s3 =	simm.s32 $0x2;
	[smem:$0x7FF] =	sst s2;
	s19 =	sadd.s32 s6, s16  }
0x7: {  	s1 =	rddreg [dreg:$0x2];
	_ =	strace $0x80000047;
	s4 =	sadd.s32 $0x1000, s19  }
0x8: {  	[tilespmem:s2], [sflag:$0x2] =	stream.linear.gather [hbm4b:s4+s2], $0x200, $0x38;
	[tilespmem:$0x8800] =	vst v63  }
0x9: {  	_ =	swait.ge [sflag:s3], $0x200  }
0xa: {  	[sflag:s3] =	ssyncset.done $0x0  }
0xb: {  	s5 =	sadd.s32 s5, s6;
	s6 =	simm.s32 $0x200;
	[sflag:s3] =	ssyncadd.s32 $0xFFFFFE00  }
0xc: {  	[tilespmem:s6], [sflag:$0x2] =	stream.linear.gather [hbm4b:s5+s2], $0x200, $0x38;
	[tilespmem:$0x8800] =	vst v63  }
0xd: {  	_ =	swait.ge [sflag:s3], $0x200  }
0xe: {  	[sflag:s3] =	ssyncset.done $0x0  }
0xf: {  	s8 =	simm.s32 $0x400;
	s7 =	sadd.s32 $0x1314600, s16;
	[sflag:s3] =	ssyncadd.s32 $0xFFFFFE00  }
0x10: {  	[tilespmem:s8], [sflag:$0x1] =	stream.indirect.gather [hbm4b:s7+s6], $0x20, s2, s6, $0xb8;
	[tilespmem:$0x8800] =	vst v63  }
0x11: {  	s10 =	simm.s32 $0x4400;
	s9 =	sadd.s32 $0xF43C00, s16  }
0x12: {  	[tilespmem:s10], [sflag:$0x1] =	stream.indirect.gather [hbm4b:s9+s6], $0x20, s6, s6, $0xb8;
	[tilespmem:$0x8800] =	vst v63  }
0x13: {  	s12 =	simm.s32 $0x8400;
	s11 =	sadd.s32 $0x20200, s16  }
0x14: {  	[tilespmem:s12], [sflag:$0x1] =	stream.indirect.gather [hbm4b:s11+s6], $0x1, s2, s6, $0xb8;
	[tilespmem:$0x8800] =	vst v63  }
0x15: {  	s14 =	simm.s32 $0x8600;
	s15 =	simm.s32 $0x1;
	s13 =	sadd.s32 $0x1800, s16  }
0x16: {  	[tilespmem:s14], [sflag:$0x1] =	stream.indirect.gather [hbm4b:s13+s6], $0x1, s6, s6, $0xb8;
	[tilespmem:$0x8800] =	vst v63  }
0x17: {  	_ =	swait.ge [sflag:s15], $0x4000  }
0x18: {  	[sflag:s15] =	ssyncset.done $0x0  }
0x19: {  	[sflag:s15] =	ssyncadd.s32 $0xFFFFC000  }
0x1a: {  	_ =	swait.ge [sflag:s15], $0x4000  }
0x1b: {  	[sflag:s15] =	ssyncset.done $0x0  }
0x1c: {  	[sflag:s15] =	ssyncadd.s32 $0xFFFFC000  }
0x1d: {  	_ =	swait.ge [sflag:s15], $0x200  }
0x1e: {  	[sflag:s15] =	ssyncset.done $0x0  }
0x1f: {  	[sflag:s15] =	ssyncadd.s32 $0xFFFFFE00  }
0x20: {  	s17 =	sshll.u32 s17, $0x2;
	_ =	swait.ge [sflag:s15], $0x200  }
0x21: {  	s17 =	sadd.s32 s17, s16;
	[sflag:s15] =	ssyncset.done $0x0  }
0x22: {  	s16 =	sadd.s32 $0x4FC00, s17;
	[sflag:s15] =	ssyncadd.s32 $0xFFFFFE00  }
0x23: {  	[hbm4b:s16+s2] =	stream.linear.scatter [tilespmem:s8], [sflag:$0x2], $0x4000, $0x38;
	[tilespmem:$0x8800] =	vst v63  }
0x24: {  	_ =	swait.ge [sflag:s3], $0x4000  }
0x25: {  	[sflag:s3] =	ssyncset.done $0x0  }
0x26: {  	s20 =	ssub.s32 $0x2, s18;
	s17 =	sadd.s32 $0x3FC00, s17;
	[sflag:s3] =	ssyncadd.s32 $0xFFFFC000  }
0x27: {  	[hbm4b:s17+s2] =	stream.linear.scatter [tilespmem:s10], [sflag:$0x2], $0x4000, $0x38;
	[tilespmem:$0x8800] =	vst v63  }
0x28: {  	s21 =	sshrl.u32 s20, $0x1;
	_ =	swait.ge [sflag:s3], $0x4000  }
0x29: {  	s20 =	ssub.s32 s20, s21;
	[sflag:s3] =	ssyncset.done $0x0  }
0x2a: {  	s20 =	smax.u32 s20, $0x1;
	s18 =	sadd.s32 $0x3EC00, s19;
	[sflag:s3] =	ssyncadd.s32 $0xFFFFC000  }
0x2b: {  	[hbm4b:s18+s2] =	stream.linear.scatter [tilespmem:s12], [sflag:$0x2], $0x200, $0x38;
	[tilespmem:$0x8800] =	vst v63  }
0x2c: {  	p0 =	sne.s32 s20, $0x1;
	_ =	swait.ge [sflag:s3], $0x200  }
.Ltmp0:
0x2d: {  	[sflag:s3] =	ssyncset.done $0x0;
	(pc) =	sbr.rel @!p0 .LBB2_2-.Ltmp0, $4  }
0x2e: {  	s19 =	sadd.s32 $0x3F400, s19;
	[sflag:s3] =	ssyncadd.s32 $0xFFFFFE00  }
0x2f: {  	[hbm4b:s19+s2] =	stream.linear.scatter [tilespmem:s14], [sflag:$0x2], $0x200, $0x38;
	[tilespmem:$0x8800] =	vst v63  }
0x30: {  	_ =	swait.ge [sflag:s3], $0x200  }
0x31: {  	s20 =	sadd.s32 $0xFFFFFFFF, s20;
	[sflag:s3] =	ssyncset.done $0x0  }
.LBB2_1:
0x32: {  	p0 =	sne.s32 s20, $0x1;
	s20 =	sadd.s32 $0xFFFFFFFF, s20;
	[sflag:s3] =	ssyncadd.s32 $0xFFFFFE00  }
0x33: {  	[tilespmem:s2], [sflag:$0x2] =	stream.linear.gather [hbm4b:s4+s2], $0x200, $0x38;
	[tilespmem:$0x8800] =	vst v63  }
0x34: {  	_ =	swait.ge [sflag:s3], $0x200  }
0x35: {  	[sflag:s3] =	ssyncset.done $0x0  }
0x36: {  	[sflag:s3] =	ssyncadd.s32 $0xFFFFFE00  }
0x37: {  	[tilespmem:s6], [sflag:$0x2] =	stream.linear.gather [hbm4b:s5+s2], $0x200, $0x38;
	[tilespmem:$0x8800] =	vst v63  }
0x38: {  	_ =	swait.ge [sflag:s3], $0x200  }
0x39: {  	[sflag:s3] =	ssyncset.done $0x0  }
0x3a: {  	[sflag:s3] =	ssyncadd.s32 $0xFFFFFE00  }
0x3b: {  	[tilespmem:s8], [sflag:$0x1] =	stream.indirect.gather [hbm4b:s7+s6], $0x20, s2, s6, $0xb8;
	[tilespmem:$0x8800] =	vst v63  }
0x3c: {  	_ = 	snop  }
0x3d: {  	[tilespmem:s10], [sflag:$0x1] =	stream.indirect.gather [hbm4b:s9+s6], $0x20, s6, s6, $0xb8;
	[tilespmem:$0x8800] =	vst v63  }
0x3e: {  	_ = 	snop  }
0x3f: {  	[tilespmem:s12], [sflag:$0x1] =	stream.indirect.gather [hbm4b:s11+s6], $0x1, s2, s6, $0xb8;
	[tilespmem:$0x8800] =	vst v63  }
0x40: {  	_ = 	snop  }
0x41: {  	[tilespmem:s14], [sflag:$0x1] =	stream.indirect.gather [hbm4b:s13+s6], $0x1, s6, s6, $0xb8;
	[tilespmem:$0x8800] =	vst v63  }
0x42: {  	_ =	swait.ge [sflag:s15], $0x4000  }
0x43: {  	[sflag:s15] =	ssyncset.done $0x0  }
0x44: {  	[sflag:s15] =	ssyncadd.s32 $0xFFFFC000  }
0x45: {  	_ =	swait.ge [sflag:s15], $0x4000  }
0x46: {  	[sflag:s15] =	ssyncset.done $0x0  }
0x47: {  	[sflag:s15] =	ssyncadd.s32 $0xFFFFC000  }
0x48: {  	_ =	swait.ge [sflag:s15], $0x200  }
0x49: {  	[sflag:s15] =	ssyncset.done $0x0  }
0x4a: {  	[sflag:s15] =	ssyncadd.s32 $0xFFFFFE00  }
0x4b: {  	_ =	swait.ge [sflag:s15], $0x200  }
0x4c: {  	[sflag:s15] =	ssyncset.done $0x0  }
0x4d: {  	[sflag:s15] =	ssyncadd.s32 $0xFFFFFE00  }
0x4e: {  	[hbm4b:s16+s2] =	stream.linear.scatter [tilespmem:s8], [sflag:$0x2], $0x4000, $0x38;
	[tilespmem:$0x8800] =	vst v63  }
0x4f: {  	_ =	swait.ge [sflag:s3], $0x4000  }
0x50: {  	[sflag:s3] =	ssyncset.done $0x0  }
0x51: {  	[sflag:s3] =	ssyncadd.s32 $0xFFFFC000  }
0x52: {  	[hbm4b:s17+s2] =	stream.linear.scatter [tilespmem:s10], [sflag:$0x2], $0x4000, $0x38;
	[tilespmem:$0x8800] =	vst v63  }
0x53: {  	_ =	swait.ge [sflag:s3], $0x4000  }
0x54: {  	[sflag:s3] =	ssyncset.done $0x0  }
0x55: {  	[sflag:s3] =	ssyncadd.s32 $0xFFFFC000  }
0x56: {  	[hbm4b:s18+s2] =	stream.linear.scatter [tilespmem:s12], [sflag:$0x2], $0x200, $0x38;
	[tilespmem:$0x8800] =	vst v63  }
0x57: {  	_ =	swait.ge [sflag:s3], $0x200  }
.Ltmp1:
0x58: {  	[sflag:s3] =	ssyncset.done $0x0;
	(pc) =	sbr.rel @p0 .LBB2_1-.Ltmp1, $4  }
0x59: {  	[sflag:s3] =	ssyncadd.s32 $0xFFFFFE00  }
0x5a: {  	[hbm4b:s19+s2] =	stream.linear.scatter [tilespmem:s14], [sflag:$0x2], $0x200, $0x38;
	[tilespmem:$0x8800] =	vst v63  }
0x5b: {  	_ =	swait.ge [sflag:s3], $0x200  }
0x5c: {  	[sflag:s3] =	ssyncset.done $0x0  }
.LBB2_2:
0x5d: {  	[sflag:s3] =	ssyncadd.s32 $0xFFFFFE00  }
0x5e: {  	_ =	sfence.sel $0x180000  }
0x5f: {  	[bflag:$0x0] =	sbarrier.arrive $0xFFFF  }
0x60: {  	p0 =	sne.s32 s0, $0x0;
	_ =	strace $0x90000047  }
0x61: {  	s0 =	sadd.s32 @!p0 $0x100000, s1;
	[bflag:$0x2] =	sbarrier.arrive $0xFFFF  }
0x62: {  	[sflag:s0] =	ssyncadd.tile.s32 @!p0 $0x1;
	_ =	shalt  }
.Lfunc_end2:
_tile_overlayer_lowered:
.L_overlay_start_2:
0x63: {  	(tag) =	ssettag $0x2  }
0x64: {  	s0 =	rddreg [dreg:$0x0];
	s2 =	stileid.u32  }
0x65: {  	s1 =	rddreg [dreg:$0x1];
	p0 =	sne.s32 s2, $0x0  }
0x66: {  	s3 =	rddreg [dreg:$0x2];
	[bflag:$0x3] =	sbarrier.arrive $0xFFFF;
	s2 =	simm.s32 @!p0 $0x1C02  }
0x67: {  	[timem:s3], [sflag:s2] =	dma.local @!p0 [hbm:s0], s1  }
0x68: {  	s0 =	simm.s32 @!p0 $0x2  }
0x69: {  	_ =	swait.ge @!p0 [sflag:s0], s1  }
0x6a: {  	s1 =	ssub.s32 @!p0 $0x0, s1;
	[sflag:s0] =	ssyncset.done @!p0 $0x0  }
0x6b: {  	[sflag:s0] =	ssyncadd.s32 @!p0 s1  }
0x6c: {  	[bflag:$0x3] =	sbarrier.arrive $0xFFFF  }
0x6d: {  	_ =	shalt  }

</sc_bundles>
